<compile_context>
chip_gen: v7x
topology: tpu7x:2x2x1
jax: 0.10.2.dev20260603
libtpu: 0.0.44.dev20260713+nightly
codegen_flags: <defaults>
</compile_context>

<pallas_src>
import functools
import jax
import jax.numpy as jnp
from jax import lax
from jax.experimental import pallas as pl
from jax.experimental.pallas import tpu as pltpu
from jax.experimental.pallas import tpu_sc as plsc

B = 16384
N_ACTIONS = 1000000
DIM = 32
NC = 2
NS = 16
NW = NC * NS
BPW = B // NW

CBLK = 65536
NSTEP = (N_ACTIONS + CBLK - 1) // CBLK


def _tc_body(tblT_ref, ctxT_ref, qryT_ref, w_ref, t_ref, d_ref):
    wa = w_ref[2:3, :]
    t_ref[...] = jnp.dot(wa, tblT_ref[...],
                         preferred_element_type=jnp.float32)

    @pl.when(pl.program_id(0) == 0)
    def _():
        wc = w_ref[0:1, :]
        wq = w_ref[1:2, :]
        bias = w_ref[3, 0]
        d_ref[...] = (jnp.dot(wc, ctxT_ref[...],
                              preferred_element_type=jnp.float32)
                      + jnp.dot(wq, qryT_ref[...],
                                preferred_element_type=jnp.float32) + bias)


def _sc_body(t_hbm, act_hbm, d_hbm, out_hbm, idx_v, tv_v, dv_v, out_v, sem):
    wid = lax.axis_index("s") * NC + lax.axis_index("c")
    base = wid * BPW
    pltpu.sync_copy(act_hbm.at[pl.ds(base, BPW)], idx_v)
    gather = pltpu.async_copy(t_hbm.at[idx_v], tv_v, sem)
    pltpu.sync_copy(d_hbm.at[pl.ds(base, BPW)], dv_v)
    gather.wait()

    @plsc.parallel_loop(0, BPW // 16, step=1, unroll=8)
    def body(i):
        out_v[pl.ds(i * 16, 16)] = (tv_v[pl.ds(i * 16, 16)]
                                    + dv_v[pl.ds(i * 16, 16)])

    pltpu.sync_copy(out_v, out_hbm.at[pl.ds(base, BPW)])


@jax.jit
def _run(ctxT, qryT, action, tblT, wmat):
    t2, d2 = pl.pallas_call(
        _tc_body,
        grid=(NSTEP,),
        in_specs=[
            pl.BlockSpec((DIM, CBLK), lambda i: (0, i)),
            pl.BlockSpec((DIM, B), lambda i: (0, 0)),
            pl.BlockSpec((DIM, B), lambda i: (0, 0)),
            pl.BlockSpec((8, DIM), lambda i: (0, 0)),
        ],
        out_specs=[
            pl.BlockSpec((1, CBLK), lambda i: (0, i)),
            pl.BlockSpec((1, B), lambda i: (0, 0)),
        ],
        out_shape=[
            jax.ShapeDtypeStruct((1, N_ACTIONS), jnp.float32),
            jax.ShapeDtypeStruct((1, B), jnp.float32),
        ],
    )(tblT, ctxT, qryT, wmat)

    mesh = plsc.VectorSubcoreMesh(core_axis_name="c", subcore_axis_name="s",
                                  num_cores=NC, num_subcores=NS)
    f = pl.kernel(
        _sc_body,
        out_type=jax.ShapeDtypeStruct((B,), jnp.float32),
        mesh=mesh,
        scratch_types=[
            pltpu.VMEM((BPW,), jnp.int32),
            pltpu.VMEM((BPW,), jnp.float32),
            pltpu.VMEM((BPW,), jnp.float32),
            pltpu.VMEM((BPW,), jnp.float32),
            pltpu.SemaphoreType.DMA,
        ],
        compiler_params=pltpu.CompilerParams(needs_layout_passes=False,
                                             use_tc_tiling_on_sc=False),
    )
    return f(t2.reshape(N_ACTIONS), action, d2.reshape(B))


def kernel(context, query, action, action_list, w, b):
    wmat = jnp.zeros((8, DIM), jnp.float32)
    wmat = wmat.at[0].set(w[0:32]).at[1].set(w[32:64]).at[2].set(w[64:96])
    wmat = wmat.at[3, 0].set(b)
    return _run(context.T, query.T, action.astype(jnp.int32),
                action_list.T, wmat)

# --- scband reference (transcript-rebuilt; emitter-appended) ---
"""Pipeline reference for scband-base-action-reward-model-57913339019334 (READ-ONLY COPY).

The authoritative reference and input builder live on the scoring server;
editing this copy changes nothing except your own understanding.
"""

import jax, jax.numpy as jnp
import numpy as np

B = 16384
N_ACTIONS = 1000000
DIM_CONTEXT = 32
DIM_QUERY = 32
DIM_ACTION = 32
DIM_IN = DIM_CONTEXT + DIM_QUERY + DIM_ACTION


def setup_inputs(seed: int = 0) -> dict:
    key = jax.random.key(seed)
    k1, k2, k3, k4, k5, k6 = jax.random.split(key, 6)
    context = jax.random.normal(k1, (B, DIM_CONTEXT), dtype=jnp.float32)
    query = jax.random.normal(k2, (B, DIM_QUERY), dtype=jnp.float32)
    action = jax.random.randint(k3, (B,), 0, N_ACTIONS, dtype=jnp.int64 if jax.config.jax_enable_x64 else jnp.int32)
    # learned parameters
    action_list = jax.random.normal(k4, (N_ACTIONS, DIM_ACTION), dtype=jnp.float32) * 0.02
    w = jax.random.normal(k5, (DIM_IN,), dtype=jnp.float32) * 0.1
    b = jax.random.normal(k6, (), dtype=jnp.float32) * 0.1
    return {"context": context, "query": query, "action": action,
            "action_list": action_list, "w": w, "b": b}


def reference(context, query, action, action_list, w, b):
    # predict_value: embedding lookup of action ids into action_list (gather),
    # concat with context and query, then the concrete forward: a linear scorer
    # producing a scalar value per sample.
    a_emb = jnp.take(action_list, action, axis=0)            # (B, DIM_ACTION) gather
    inputs = jnp.concatenate((context, query, a_emb), axis=1)  # (B, DIM_IN)
    action_value = inputs @ w + b                              # (B,)
    return action_value

if __name__ == "__main__":
    import jax
    _d = setup_inputs()
    print(jax.jit(kernel)(*tuple(_d.values())))

</pallas_src>

<mosaic_0001>
#map = affine_map<(d0, d1) -> (0)>
module attributes {stable_mosaic.version = 14 : i64} {
  func.func @_sc_body(%arg0: i32, %arg1: i32, %arg2: memref<1000000xf32, #tpu.memory_space<hbm>>, %arg3: memref<16384xi32, #tpu.memory_space<hbm>>, %arg4: memref<16384xf32, #tpu.memory_space<hbm>>, %arg5: memref<16384xf32, #tpu.memory_space<hbm>>, %arg6: memref<512xi32, #tpu.memory_space<vmem>>, %arg7: memref<512xf32, #tpu.memory_space<vmem>>, %arg8: memref<512xf32, #tpu.memory_space<vmem>>, %arg9: memref<512xf32, #tpu.memory_space<vmem>>, %arg10: memref<!tpu.dma_semaphore, #tpu.memory_space<semaphore_mem>>) attributes {dimension_semantics = [#tpu.dimension_semantics<core_parallel>, #tpu.dimension_semantics<subcore_parallel>], iteration_bounds = array<i64: 2, 16>, scalar_prefetch = 0 : i64, scratch_operands = 5 : i64, tpu.core_type = #tpu.core_type<sc_vector_subcore>, window_params = [{transform_indices = #map}, {transform_indices = #map}, {transform_indices = #map}, {transform_indices = #map}]} {
    %mul3A = arith.constant 2 : i32
    %mul3A_0 = arith.muli %arg1, %mul3A : i32
    %add3A = arith.addi %mul3A_0, %arg0 : i32
    %mul3A_1 = arith.constant 512 : i32
    %mul3A_2 = arith.muli %add3A, %mul3A_1 : i32
    "tpu.region"() ({
      %run_scoped3A = tpu.sem_alloc : memref<!tpu.dma_semaphore, #tpu.memory_space<semaphore_mem>>
      %dma_start3A_7 = tpu.memref_slice %arg3[%mul3A_2] : memref<16384xi32, #tpu.memory_space<hbm>> -> memref<512xi32, #tpu.memory_space<hbm>>
      %dma_start3A_8 = tpu.memref_slice %arg3[%mul3A_2] : memref<16384xi32, #tpu.memory_space<hbm>> -> memref<512xi32, #tpu.memory_space<hbm>>
      tpu.enqueue_dma source(%dma_start3A_8 : memref<512xi32, #tpu.memory_space<hbm>>) target(%arg6 : memref<512xi32, #tpu.memory_space<vmem>>) target_semaphore(%run_scoped3A : memref<!tpu.dma_semaphore, #tpu.memory_space<semaphore_mem>>)
      %dma_wait3A_9 = tpu.memref_slice %arg3[%mul3A_2] : memref<16384xi32, #tpu.memory_space<hbm>> -> memref<512xi32, #tpu.memory_space<hbm>>
      %dma_wait3A_10 = tpu.memref_slice %arg3[%mul3A_2] : memref<16384xi32, #tpu.memory_space<hbm>> -> memref<512xi32, #tpu.memory_space<hbm>>
      tpu.wait_dma2 semaphore(%run_scoped3A : memref<!tpu.dma_semaphore, #tpu.memory_space<semaphore_mem>>) src(%dma_wait3A_10 : memref<512xi32, #tpu.memory_space<hbm>>) dst(%arg6 : memref<512xi32, #tpu.memory_space<vmem>>)
      tpu.yield
    }) : () -> ()
    %dma_start3A = arith.constant 0 : i32
    %dma_start3A_3 = tpu.memref_slice %arg2[%dma_start3A] : memref<1000000xf32, #tpu.memory_space<hbm>> -> memref<1000000xf32, #tpu.memory_space<hbm>>
    tpu.enqueue_indirect_dma source(%dma_start3A_3 : memref<1000000xf32, #tpu.memory_space<hbm>>) target(%arg7 : memref<512xf32, #tpu.memory_space<vmem>>) offsets(%arg6 : memref<512xi32, #tpu.memory_space<vmem>>) semaphore(%arg10 : memref<!tpu.dma_semaphore, #tpu.memory_space<semaphore_mem>>)
    "tpu.region"() ({
      %run_scoped3A = tpu.sem_alloc : memref<!tpu.dma_semaphore, #tpu.memory_space<semaphore_mem>>
      %dma_start3A_7 = tpu.memref_slice %arg4[%mul3A_2] : memref<16384xf32, #tpu.memory_space<hbm>> -> memref<512xf32, #tpu.memory_space<hbm>>
      %dma_start3A_8 = tpu.memref_slice %arg4[%mul3A_2] : memref<16384xf32, #tpu.memory_space<hbm>> -> memref<512xf32, #tpu.memory_space<hbm>>
      tpu.enqueue_dma source(%dma_start3A_8 : memref<512xf32, #tpu.memory_space<hbm>>) target(%arg8 : memref<512xf32, #tpu.memory_space<vmem>>) target_semaphore(%run_scoped3A : memref<!tpu.dma_semaphore, #tpu.memory_space<semaphore_mem>>)
      %dma_wait3A_9 = tpu.memref_slice %arg4[%mul3A_2] : memref<16384xf32, #tpu.memory_space<hbm>> -> memref<512xf32, #tpu.memory_space<hbm>>
      %dma_wait3A_10 = tpu.memref_slice %arg4[%mul3A_2] : memref<16384xf32, #tpu.memory_space<hbm>> -> memref<512xf32, #tpu.memory_space<hbm>>
      tpu.wait_dma2 semaphore(%run_scoped3A : memref<!tpu.dma_semaphore, #tpu.memory_space<semaphore_mem>>) src(%dma_wait3A_10 : memref<512xf32, #tpu.memory_space<hbm>>) dst(%arg8 : memref<512xf32, #tpu.memory_space<vmem>>)
      tpu.yield
    }) : () -> ()
    %dma_wait3A = arith.constant 0 : i32
    %dma_wait3A_4 = tpu.memref_slice %arg2[%dma_wait3A] : memref<1000000xf32, #tpu.memory_space<hbm>> -> memref<1000000xf32, #tpu.memory_space<hbm>>
    tpu.wait_indirect_dma semaphore(%arg10 : memref<!tpu.dma_semaphore, #tpu.memory_space<semaphore_mem>>) src(%dma_wait3A_4 : memref<1000000xf32, #tpu.memory_space<hbm>>) dst(%arg7 : memref<512xf32, #tpu.memory_space<vmem>>)
    %parallel_loop3A = arith.constant 0 : i32
    %parallel_loop3A_5 = arith.constant 32 : i32
    %parallel_loop3A_6 = arith.constant 1 : i32
    scf.for %parallel_loop3A_7 = %parallel_loop3A to %parallel_loop3A_5 step %parallel_loop3A_6  : i32 {
      %parallel_loop3A_8 = arith.constant 16 : i32
      %parallel_loop3A_9 = arith.muli %parallel_loop3A_7, %parallel_loop3A_8 : i32
      %parallel_loop3A_10 = arith.index_cast %parallel_loop3A_9 : i32 to index
      %parallel_loop3A_11 = tpu.vector_load %arg7[%parallel_loop3A_10] {strides = array<i32>} : memref<512xf32, #tpu.memory_space<vmem>>, vector<16xf32>,
      %parallel_loop3A_12 = arith.constant 16 : i32
      %parallel_loop3A_13 = arith.muli %parallel_loop3A_7, %parallel_loop3A_12 : i32
      %parallel_loop3A_14 = arith.index_cast %parallel_loop3A_13 : i32 to index
      %parallel_loop3A_15 = tpu.vector_load %arg8[%parallel_loop3A_14] {strides = array<i32>} : memref<512xf32, #tpu.memory_space<vmem>>, vector<16xf32>,
      %parallel_loop3A_16 = arith.addf %parallel_loop3A_11, %parallel_loop3A_15 : vector<16xf32>
      %parallel_loop3A_17 = arith.constant 16 : i32
      %parallel_loop3A_18 = arith.muli %parallel_loop3A_7, %parallel_loop3A_17 : i32
      %parallel_loop3A_19 = arith.index_cast %parallel_loop3A_18 : i32 to index
      %parallel_loop3A_20 = tpu.vector_load %arg9[%parallel_loop3A_19] {strides = array<i32>} : memref<512xf32, #tpu.memory_space<vmem>>, vector<16xf32>,
      tpu.vector_store %arg9[%parallel_loop3A_19], %parallel_loop3A_16 {strides = array<i32>} : memref<512xf32, #tpu.memory_space<vmem>>, vector<16xf32>,
    } {sc.loop_unroll_factor = 8 : i64, sc.parallel_access}
    "tpu.region"() ({
      %run_scoped3A = tpu.sem_alloc : memref<!tpu.dma_semaphore, #tpu.memory_space<semaphore_mem>>
      %dma_start3A_7 = tpu.memref_slice %arg5[%mul3A_2] : memref<16384xf32, #tpu.memory_space<hbm>> -> memref<512xf32, #tpu.memory_space<hbm>>
      %dma_start3A_8 = tpu.memref_slice %arg5[%mul3A_2] : memref<16384xf32, #tpu.memory_space<hbm>> -> memref<512xf32, #tpu.memory_space<hbm>>
      tpu.enqueue_dma source(%arg9 : memref<512xf32, #tpu.memory_space<vmem>>) target(%dma_start3A_8 : memref<512xf32, #tpu.memory_space<hbm>>) target_semaphore(%run_scoped3A : memref<!tpu.dma_semaphore, #tpu.memory_space<semaphore_mem>>)
      %dma_wait3A_9 = tpu.memref_slice %arg5[%mul3A_2] : memref<16384xf32, #tpu.memory_space<hbm>> -> memref<512xf32, #tpu.memory_space<hbm>>
      %dma_wait3A_10 = tpu.memref_slice %arg5[%mul3A_2] : memref<16384xf32, #tpu.memory_space<hbm>> -> memref<512xf32, #tpu.memory_space<hbm>>
      tpu.wait_dma2 semaphore(%run_scoped3A : memref<!tpu.dma_semaphore, #tpu.memory_space<semaphore_mem>>) src(%arg9 : memref<512xf32, #tpu.memory_space<vmem>>) dst(%dma_wait3A_10 : memref<512xf32, #tpu.memory_space<hbm>>)
      tpu.yield
    }) : () -> ()
    return
  }
}

module attributes {stable_mosaic.version = 14 : i64} {
  func.func @_tc_body(%arg0: i32, %arg1: memref<32x65536xf32, #tpu.memory_space<vmem>>, %arg2: memref<32x16384xf32, #tpu.memory_space<vmem>>, %arg3: memref<32x16384xf32, #tpu.memory_space<vmem>>, %arg4: memref<8x32xf32, #tpu.memory_space<vmem>>, %arg5: memref<1x65536xf32, #tpu.memory_space<vmem>>, %arg6: memref<1x16384xf32, #tpu.memory_space<vmem>>) attributes {dimension_semantics = [#tpu.dimension_semantics<arbitrary>], iteration_bounds = array<i64: 16>, scalar_prefetch = 0 : i64, scratch_operands = 0 : i64, tpu.core_type = #tpu.core_type<tc>, window_params = [{transform_indices = @transform_0, window_bounds = array<i64: 32, 65536>}, {pipeline_mode = #tpu.pipeline_mode<synchronous>, transform_indices = @transform_1, window_bounds = array<i64: 32, 16384>}, {pipeline_mode = #tpu.pipeline_mode<synchronous>, transform_indices = @transform_2, window_bounds = array<i64: 32, 16384>}, {pipeline_mode = #tpu.pipeline_mode<synchronous>, transform_indices = @transform_3, window_bounds = array<i64: 8, 32>}, {transform_indices = @transform_4, window_bounds = array<i64: 1, 65536>}, {pipeline_mode = #tpu.pipeline_mode<synchronous>, transform_indices = @transform_5, window_bounds = array<i64: 1, 16384>}]} {
    %get3A = arith.constant 2 : index
    %get3A_0 = arith.constant 0 : index
    %get3A_1 = vector.load %arg4[%get3A, %get3A_0] : memref<8x32xf32, #tpu.memory_space<vmem>>, vector<1x32xf32>
    %get3A_2 = arith.constant 0 : index
    %get3A_3 = arith.constant 0 : index
    %get3A_4 = vector.load %arg1[%get3A_2, %get3A_3] : memref<32x65536xf32, #tpu.memory_space<vmem>>, vector<32x65536xf32>
    %dot_general3A = arith.constant dense<0.000000e+00> : vector<1x65536xf32>
    %dot_general3A_5 = tpu.matmul %get3A_1, %get3A_4, %dot_general3A {dimension_numbers = #tpu.dot_dimension_numbers<[1], [0], [0], [1], [0, 0, 1, 1], [], []>, transpose_lhs_hint = false} : vector<1x32xf32>, vector<32x65536xf32>, vector<1x65536xf32> -> vector<1x65536xf32>
    %swap3A = arith.constant 0 : index
    %swap3A_6 = arith.constant 0 : index
    %swap3A_7 = vector.load %arg5[%swap3A, %swap3A_6] : memref<1x65536xf32, #tpu.memory_space<vmem>>, vector<1x65536xf32>
    tpu.vector_store %arg5[%swap3A, %swap3A_6], %dot_general3A_5 {strides = array<i32>} : memref<1x65536xf32, #tpu.memory_space<vmem>>, vector<1x65536xf32>,
    %eq3A = arith.constant 0 : i32
    %eq3A_8 = arith.cmpi eq, %arg0, %eq3A : i32
    %convert_element_type3A = arith.extui %eq3A_8 : i1 to i32
    %cond3A = arith.constant 0 : i32
    %cond3A_9 = arith.cmpi ne, %convert_element_type3A, %cond3A : i32
    scf.if %cond3A_9 {
      %get3A_10 = arith.constant 0 : index
      %get3A_11 = arith.constant 0 : index
      %get3A_12 = vector.load %arg4[%get3A_10, %get3A_11] : memref<8x32xf32, #tpu.memory_space<vmem>>, vector<1x32xf32>
      %get3A_13 = arith.constant 1 : index
      %get3A_14 = arith.constant 0 : index
      %get3A_15 = vector.load %arg4[%get3A_13, %get3A_14] : memref<8x32xf32, #tpu.memory_space<vmem>>, vector<1x32xf32>
      %get3A_16 = arith.constant 3 : index
      %get3A_17 = arith.constant 0 : index
      %get3A_18 = vector.load %arg4[%get3A_16, %get3A_17] : memref<8x32xf32, #tpu.memory_space<vmem>>, vector<1x1xf32>
      %get3A_19 = vector.extract %get3A_18[0, 0] : f32 from vector<1x1xf32>
      %get3A_20 = arith.constant 0 : index
      %get3A_21 = arith.constant 0 : index
      %get3A_22 = vector.load %arg2[%get3A_20, %get3A_21] : memref<32x16384xf32, #tpu.memory_space<vmem>>, vector<32x16384xf32>
      %dot_general3A_23 = arith.constant dense<0.000000e+00> : vector<1x16384xf32>
      %dot_general3A_24 = tpu.matmul %get3A_12, %get3A_22, %dot_general3A_23 {dimension_numbers = #tpu.dot_dimension_numbers<[1], [0], [0], [1], [0, 0, 1, 1], [], []>, transpose_lhs_hint = false} : vector<1x32xf32>, vector<32x16384xf32>, vector<1x16384xf32> -> vector<1x16384xf32>
      %get3A_25 = arith.constant 0 : index
      %get3A_26 = arith.constant 0 : index
      %get3A_27 = vector.load %arg3[%get3A_25, %get3A_26] : memref<32x16384xf32, #tpu.memory_space<vmem>>, vector<32x16384xf32>
      %dot_general3A_28 = arith.constant dense<0.000000e+00> : vector<1x16384xf32>
      %dot_general3A_29 = tpu.matmul %get3A_15, %get3A_27, %dot_general3A_28 {dimension_numbers = #tpu.dot_dimension_numbers<[1], [0], [0], [1], [0, 0, 1, 1], [], []>, transpose_lhs_hint = false} : vector<1x32xf32>, vector<32x16384xf32>, vector<1x16384xf32> -> vector<1x16384xf32>
      %add3A = arith.addf %dot_general3A_24, %dot_general3A_29 : vector<1x16384xf32>
      %add3A_30 = vector.broadcast %get3A_19 : f32 to vector<1x16384xf32>
      %add3A_31 = arith.addf %add3A, %add3A_30 : vector<1x16384xf32>
      %swap3A_32 = arith.constant 0 : index
      %swap3A_33 = arith.constant 0 : index
      %swap3A_34 = vector.load %arg6[%swap3A_32, %swap3A_33] : memref<1x16384xf32, #tpu.memory_space<vmem>>, vector<1x16384xf32>
      tpu.vector_store %arg6[%swap3A_32, %swap3A_33], %add3A_31 {strides = array<i32>} : memref<1x16384xf32, #tpu.memory_space<vmem>>, vector<1x16384xf32>,
    } else {
    }
    return
  }
  func.func @transform_0(%arg0: i32) -> (i32, i32) {
    %c0_i32 = arith.constant 0 : i32
    %c0_i32_0 = arith.constant 0 : i32
    return %c0_i32, %arg0 : i32, i32
  }
  func.func @transform_1(%arg0: i32) -> (i32, i32) {
    %c0_i32 = arith.constant 0 : i32
    %c0_i32_0 = arith.constant 0 : i32
    %c0_i32_1 = arith.constant 0 : i32
    return %c0_i32, %c0_i32_0 : i32, i32
  }
  func.func @transform_2(%arg0: i32) -> (i32, i32) {
    %c0_i32 = arith.constant 0 : i32
    %c0_i32_0 = arith.constant 0 : i32
    %c0_i32_1 = arith.constant 0 : i32
    return %c0_i32, %c0_i32_0 : i32, i32
  }
  func.func @transform_3(%arg0: i32) -> (i32, i32) {
    %c0_i32 = arith.constant 0 : i32
    %c0_i32_0 = arith.constant 0 : i32
    %c0_i32_1 = arith.constant 0 : i32
    return %c0_i32, %c0_i32_0 : i32, i32
  }
  func.func @transform_4(%arg0: i32) -> (i32, i32) {
    %c0_i32 = arith.constant 0 : i32
    %c0_i32_0 = arith.constant 0 : i32
    return %c0_i32, %arg0 : i32, i32
  }
  func.func @transform_5(%arg0: i32) -> (i32, i32) {
    %c0_i32 = arith.constant 0 : i32
    %c0_i32_0 = arith.constant 0 : i32
    %c0_i32_1 = arith.constant 0 : i32
    return %c0_i32, %c0_i32_0 : i32, i32
  }
}

</mosaic_0001>

<sc_bundles>
// kernel: _run.4.cloned.1.call-start
scs
__scs_entry_jumppad:
0x0: {  	(pc) =	sbr.rel $0x88, $3  }
0x1: {  	(tag) =	ssettag $0x0;
	lr =	simm.s32 $0x1  }
0x2: {  	[smem:$0x3F9C] =	sst lr;
	_ =	strace $0xD0000000  }
0x3: {  	_ = 	snop  }
0x4: {  	_ = 	snop  }
0x5: {  	_ = 	snop  }
0x6: {  	_ = 	snop  }
0x7: {  	_ = 	snop  }
__scs_overlays_trampoline_lowered:
0x8: {  	[smem:$0x3FAB] =	sst s0  }
0x9: {  	[smem:$0x3FAC] =	sst s1  }
0xa: {  	[smem:$0x3FAD] =	sst s2  }
0xb: {  	[smem:$0x3FAE] =	sst s3  }
0xc: {  	[smem:$0x3FAF] =	sst s4  }
0xd: {  	[smem:$0x3FB0] =	sst s5  }
0xe: {  	[smem:$0x3FB1] =	sst s6  }
0xf: {  	[smem:$0x3FB2] =	sst s7  }
0x10: {  	[smem:$0x3FB3] =	sst s8  }
0x11: {  	[smem:$0x3FB4] =	sst s9;
	s0 =	simm.s32 @!p0 $0x0  }
0x12: {  	s1 =	sld [smem:$0x3F9A];
	s0 =	simm.s32 @p0 $0x1  }
0x13: {  	[smem:$0x3FB5] =	sst s0;
	s0 =	simm.s32 @!p1 $0x0  }
0x14: {  	s2 =	sld [smem:$0x3F99];
	s0 =	simm.s32 @p1 $0x1  }
0x15: {  	[smem:$0x3FB6] =	sst s0;
	s0 =	simm.s32 @!p2 $0x0  }
0x16: {  	s3 =	sld [smem:$0x3FDB];
	s0 =	simm.s32 @p2 $0x1  }
0x17: {  	s4 =	simm.s32 $0x1BF5;
	[smem:$0x3FB8] =	sst s0  }
0x18: {  	s0 =	sld [smem:$0x3F9B];
	_ =	swait.ge [sflag:s4], $0x0  }
0x19: {  	s7 =	sld [smem:$0x3F9C]  }
0x1a: {  	s8 =	sadd.s32 $0xFFFFE003, lr  }
0x1b: {  	s9 =	sadd.s32 $0xFFFFFEF7, lr;
	s5 =	simm.s32 $0xFFFFFFFF;
	p2 =	slt.u32 s8, $0xFFFFF086  }
0x1c: {  	p1 =	slt.u32 s9, $0xF7A;
	s5 =	simm.s32 @!p2 $0x0  }
0x1d: {  	s5 =	simm.s32 @p1 $0x1;
	p0 =	seq.s32 s7, s2  }
0x1e: {  	s7 =	smul.u32 @!p0 $0xF7A, s2;
	p2 =	seq.s32 @!p0 s5, $0x0  }
0x1f: {  	s9 =	smul.u32 $0xF7A, s1;
	s8 =	simm.s32 @!p0 $0x1BF5;
	p2 =	por !p2, p0  }
0x20: {  	[sflag:s8] =	ssyncset.s32 @!p0 $0xFFFFF086;
	s6 =	sadd.s32 @!p0 s3, s7;
	s7 =	simm.s32 @!p0 $0x108  }
0x21: {  	s3 =	sadd.s32 s3, s9;
	s6 =	sadd.s32 @!p0 $0x88, s6;
	s7 =	simm.s32 @p2 $0x1082  }
0x22: {  	[simem:s7], [sflag:s8] =	dma.local @!p0 [hbm:s6], $0xF7A  }
0x23: {  	s9 =	sor.u32 $0xD0000000, s2;
	s6 =	simm.s32 $0x108;
	_ =	swait.ge @!p0 [sflag:s8], $0x0  }
0x24: {  	s3 =	sadd.s32 $0x88, s3;
	s6 =	simm.s32 @!p1 $0x1082;
	[sflag:s4] =	ssyncset.s32 $0xFFFFF086  }
0x25: {  	[simem:s6], [sflag:s4] =	dma.local [hbm:s3], $0xF7A  }
0x26: {  	[smem:$0x3F9C] =	sst s1;
	(tag) =	ssettag s2;
	_ =	strace s9  }
0x27: {  	s1 =	sld [smem:$0x3FAC]  }
0x28: {  	s2 =	sld [smem:$0x3FAD]  }
0x29: {  	s4 =	sld [smem:$0x3FAF]  }
0x2a: {  	p0 =	seq.s32 s5, $0x0;
	s5 =	sld [smem:$0x3FB0]  }
0x2b: {  	s6 =	sld [smem:$0x3FB1]  }
0x2c: {  	s7 =	sld [smem:$0x3FB2]  }
0x2d: {  	s3 =	simm.s32 $0x108;
	s8 =	sld [smem:$0x3FB3]  }
0x2e: {  	s3 =	simm.s32 @!p0 $0x1082;
	s9 =	sld [smem:$0x3FB4]  }
0x2f: {  	lr =	sadd.s32 s0, s3;
	s0 =	sld [smem:$0x3FAB]  }
0x30: {  	s3 =	sld [smem:$0x3FAE]  }
0x31: {  	[smem:$0x3FB7] =	sst s10  }
0x32: {  	s10 =	sld [smem:$0x3FB5];
	_ =	sdelay $0x3  }
0x33: {  	p0 =	seq.s32 s10, $0x1;
	s10 =	sld [smem:$0x3FB7];
	_ =	sdelay $0x3  }
0x34: {  	[smem:$0x3FB7] =	sst s10  }
0x35: {  	s10 =	sld [smem:$0x3FB6];
	_ =	sdelay $0x3  }
0x36: {  	p1 =	seq.s32 s10, $0x1;
	s10 =	sld [smem:$0x3FB7];
	_ =	sdelay $0x3  }
0x37: {  	[smem:$0x3FB7] =	sst s10  }
0x38: {  	s10 =	sld [smem:$0x3FB8]  }
0x39: {  	_ = 	snop;
	(pc) =	sbr.ind lr, $3  }
0x3a: {  	_ = 	snop  }
0x3b: {  	_ = 	snop  }
0x3c: {  	p2 =	seq.s32 s10, $0x1;
	s10 =	sld [smem:$0x3FB7]  }
0x3d: {  	_ =	shalt  }
0x3e: {  	_ =	shalt  }
0x3f: {  	_ =	shalt  }
0x40: {  	_ =	shalt  }
0x41: {  	_ =	shalt  }
0x42: {  	_ =	shalt  }
0x43: {  	_ =	shalt  }
0x44: {  	_ =	shalt  }
0x45: {  	_ =	shalt  }
0x46: {  	_ =	shalt  }
0x47: {  	_ =	shalt  }
0x48: {  	_ =	shalt  }
0x49: {  	_ =	shalt  }
0x4a: {  	_ =	shalt  }
0x4b: {  	_ =	shalt  }
0x4c: {  	_ =	shalt  }
0x4d: {  	_ =	shalt  }
0x4e: {  	_ =	shalt  }
0x4f: {  	_ =	shalt  }
0x50: {  	_ =	shalt  }
0x51: {  	_ =	shalt  }
0x52: {  	_ =	shalt  }
0x53: {  	_ =	shalt  }
0x54: {  	_ =	shalt  }
0x55: {  	_ =	shalt  }
0x56: {  	_ =	shalt  }
0x57: {  	_ =	shalt  }
0x58: {  	_ =	shalt  }
0x59: {  	_ =	shalt  }
0x5a: {  	_ =	shalt  }
0x5b: {  	_ =	shalt  }
0x5c: {  	_ =	shalt  }
0x5d: {  	_ =	shalt  }
0x5e: {  	_ =	shalt  }
0x5f: {  	_ =	shalt  }
0x60: {  	_ =	shalt  }
0x61: {  	_ =	shalt  }
0x62: {  	_ =	shalt  }
0x63: {  	_ =	shalt  }
0x64: {  	_ =	shalt  }
0x65: {  	_ =	shalt  }
0x66: {  	_ =	shalt  }
0x67: {  	_ =	shalt  }
0x68: {  	_ =	shalt  }
0x69: {  	_ =	shalt  }
0x6a: {  	_ =	shalt  }
0x6b: {  	_ =	shalt  }
0x6c: {  	_ =	shalt  }
0x6d: {  	_ =	shalt  }
0x6e: {  	_ =	shalt  }
0x6f: {  	_ =	shalt  }
0x70: {  	_ =	shalt  }
0x71: {  	_ =	shalt  }
0x72: {  	_ =	shalt  }
0x73: {  	_ =	shalt  }
0x74: {  	_ =	shalt  }
0x75: {  	_ =	shalt  }
0x76: {  	_ =	shalt  }
0x77: {  	_ =	shalt  }
0x78: {  	_ =	shalt  }
0x79: {  	_ =	shalt  }
0x7a: {  	_ =	shalt  }
0x7b: {  	_ =	shalt  }
0x7c: {  	_ =	shalt  }
0x7d: {  	_ =	shalt  }
0x7e: {  	_ =	shalt  }
0x7f: {  	_ =	shalt  }
0x80: {  	_ =	shalt  }
0x81: {  	_ =	shalt  }
0x82: {  	_ =	shalt  }
0x83: {  	_ =	shalt  }
0x84: {  	_ =	shalt  }
0x85: {  	_ =	shalt  }
0x86: {  	_ =	shalt  }
0x87: {  	_ =	shalt  }
.Lfunc_end0:
.L_simem_size_0:
called_computation_lowered:
.L_overlay_start_0:
0x88: {  	s2 =	sld [smem:$0x3FD9]  }
0x89: {  	s3 =	sld [smem:$0x3FFE];
	_ =	sdelay $0x1  }
0x8a: {  	s1 =	srdreg.scid  }
0x8b: {  	s0 =	sand.u32 $0x1, s1  }
0x8c: {  	s17 =	sshll.u32 s0, $0xA;
	s2 =	sadd.s32 s3, s2  }
0x8d: {  	s2 =	sadd.s32 s2, s17  }
0x8e: {  	[smem:$0x3FC3] =	sst s2  }
0x8f: {  	_ = 	snop  }
0x90: {  	s2 =	sld [smem:$0x3FC7]  }
0x91: {  	s18 =	sld [smem:$0x3FD0];
	(tm) =	ssettm $0x1  }
0x92: {  	s4 =	sld [smem:$0x3FFB];
	_ =	sdelay $0x3  }
0x93: {  	_ =	strace s4  }
0x94: {  	s4 =	sld [smem:$0x3FFC];
	_ =	sdelay $0x3  }
0x95: {  	_ =	strace s4  }
0x96: {  	s4 =	sld [smem:$0x3FFD];
	_ =	sdelay $0x3  }
0x97: {  	_ =	strace s4  }
0x98: {  	_ =	strace $0x8FFFFFFF  }
0x99: {  	s19 =	sld [smem:$0x3FDB];
	_ =	sdelay $0x1  }
0x9a: {  	s5 =	simm.s32 $_scs_section_size  }
0x9b: {  	s6 =	simm.s32 $_size__tile_overlayer_lowered;
	s7 =	simm.s32 $_tile_overlayer_lowered  }
0x9c: {  	s22 =	simm.s32 $0x1BFF;
	s21 =	sshll.u32 s7, $0x1;
	s4 =	sadd.s32 s5, s19  }
0x9d: {  	s8 =	simm.s32 $0x0;
	s20 =	sshll.u32 s6, $0x1;
	s6 =	sadd.s32 s21, s4  }
0x9e: {  	[timem:s8], [sflag:s22] =	dma.local [hbm:s6], s20  }
0x9f: {  	_ =	swait.ge [sflag:s22], s20  }
0xa0: {  	s5 =	ssub.s32 $0x0, s20;
	[sflag:s22] =	ssyncset.done $0x0  }
0xa1: {  	[sflag:s22] =	ssyncadd.s32 s5;
	_ =	sdelay $0x1  }
0xa2: {  	s23 =	simm.s32 $0x1B8B  }
0xa3: {  	_ =	swait.ge [sflag:s23], $0x1  }
0xa4: {  	[sflag:s23] =	ssyncset.done $0x0  }
0xa5: {  	s25 =	simm.s32 $0x1B8E;
	s24 =	sld [smem:$0x3FFE];
	[sflag:s23] =	ssyncadd.s32 $0xFFFFFFFF  }
0xa6: {  	s26 =	simm.s32 $execute0_lowered;
	[smem:$0x3FD2] =	sst s25  }
0xa7: {  	s6 =	sshll.u32 s26, $0x1;
	_ =	strace $0x80000046;
	[dreg:$0x1] =	wrdreg $0xFFFFFFFF  }
0xa8: {  	s28 =	simm.s32 $_size_execute0_lowered;
	s4 =	sadd.s32 s4, s6;
	[dreg:$0x0] =	wrdreg $0x0  }
0xa9: {  	s6 =	sshll.u32 s28, $0x1;
	[dreg:$0x2] =	wrdreg s4  }
0xaa: {  	[dreg:$0x3] =	wrdreg s6  }
0xab: {  	[dreg:$0x4] =	wrdreg $0xC0  }
0xac: {  	_ =	task [dreg:s8], $0x5FFFF  }
0xad: {  	[dreg:$0x1] =	wrdreg $0xFFFFFFFF  }
0xae: {  	[dreg:$0x0] =	wrdreg $0x60  }
0xaf: {  	[dreg:$0x2] =	wrdreg s24  }
0xb0: {  	[dreg:$0x3] =	wrdreg s2  }
0xb1: {  	[dreg:$0x4] =	wrdreg s18  }
0xb2: {  	[dreg:$0x5] =	wrdreg $0x9  }
0xb3: {  	_ =	task.clear_ibuf [dreg:s8], $0x6FFFF;
	_ =	strace $0x90000046  }
0xb4: {  	s29 =	simm.s32 $0x9;
	_ =	strace $0x80000048  }
0xb5: {  	_ =	swait.ge [sflag:s29], $0x1  }
0xb6: {  	[sflag:s29] =	ssyncadd.s32 $0xFFFFFFFF  }
0xb7: {  	_ =	strace $0x90000048  }
0xb8: {  	_ =	sfence  }
0xb9: {  	s30 =	sld [smem:$0x0];
	_ =	sdelay $0x2  }
0xba: {  	s31 =	sshll.u32 s1, $0xD;
	s1 =	sshrl.u32 s1, $0x2  }
0xbb: {  	s3 =	sand.u32 $0x4000, s31;
	s1 =	sadd.s32 s1, s30  }
0xbc: {  	s0 =	sor.u32 s3, s0;
	s1 =	sshll.u32 s1, $0x11  }
0xbd: {  	s0 =	sor.u32 s1, s0  }
0xbe: {  	s0 =	sadd.s32 $0x8F2B, s0  }
0xbf: {  	[sflag:s0] =	ssyncadd.remote.s32 $0x1  }
0xc0: {  	_ =	sfence.sel $0xFFFF  }
0xc1: {  	[dreg:$0x0] =	wrdreg $0xFFFFFFFF;
	(pc) =	sbr.abs _section_cstart, $3  }
0xc2: {  	[dreg:$0x1] =	wrdreg $0xFFFFFFFF  }
0xc3: {  	_ =	task.clear_ibuf [dreg:s8], $0x2FFFF;
	_ =	strace $0x9FFFFFFF  }
0xc4: {  	(tm) =	ssettm $0x7FFFFFFF  }
0xc5: {  	_ =	shalt  }
tec
execute0_lowered:
.L_overlay_start_1:
0x0: {  	(tag) =	ssettag $0x1  }
0x1: {  	s4 =	rddreg [dreg:$0x0]  }
0x2: {  	s5 =	rddreg [dreg:$0x1]  }
0x3: {  	s6 =	rddreg [dreg:$0x2]  }
0x4: {  	s0 =	rddreg [dreg:$0x3]  }
0x5: {  	s2 =	simm.s32 $0x0;
	s3 =	srdreg.scid;
	s1 =	stileid.u32  }
0x6: {  	s11 =	simm.s32 $0x1;
	s12 =	simm.s32 $0x600;
	s13 =	simm.s32 $0x0  }
0x7: {  	[smem:$0x7FF] =	sst s2;
	s3 =	sand.u32 $0x1, s3;
	s7 =	sshll.u32 s1, $0x7  }
0x8: {  	_ =	strace $0x80000047;
	s8 =	sshll.u32 s3, $0x6;
	s9 =	ssub.s32 $0x2, s3  }
0x9: {  	s3 =	sadd.s32 $0x1200, s4;
	s7 =	sor.u32 s8, s7;
	s31 =	sshrl.u32 s9, $0x1  }
0xa: {  	s10 =	sadd.s32 s7, s4;
	s8 =	ssub.s32 s9, s31;
	s4 =	sadd.s32 s5, s7  }
0xb: {  	s6 =	sadd.s32 s6, s7;
	s9 =	simm.s32 $0x200;
	s5 =	sadd.s32 $0xA00, s10  }
0xc: {  	s7 =	smax.u32 s8, $0x1;
	s8 =	simm.s32 $0x2;
	s10 =	simm.s32 $0x400  }
.LBB2_1:
0xd: {  	[tilespmem:s2], [sflag:$0x2] =	stream.linear.gather [hbm4b:s4+s2], $0x200, $0x38;
	[tilespmem:$0x800] =	vst v63  }
0xe: {  	_ =	swait.ge [sflag:s8], $0x200  }
0xf: {  	[sflag:s8] =	ssyncset.done $0x0  }
0x10: {  	[sflag:s8] =	ssyncadd.s32 $0xFFFFFE00  }
0x11: {  	[tilespmem:s9], [sflag:$0x1] =	stream.indirect.gather [hbm4b:s3+s9], $0x1, s2, s9, $0xb8;
	[tilespmem:$0x800] =	vst v63  }
0x12: {  	_ = 	snop  }
0x13: {  	[tilespmem:s10], [sflag:$0x2] =	stream.linear.gather [hbm4b:s5+s2], $0x200, $0x38;
	[tilespmem:$0x800] =	vst v63  }
0x14: {  	_ =	swait.ge [sflag:s8], $0x200  }
0x15: {  	[sflag:s8] =	ssyncset.done $0x0  }
0x16: {  	[sflag:s8] =	ssyncadd.s32 $0xFFFFFE00  }
0x17: {  	_ =	swait.ge [sflag:s11], $0x200  }
0x18: {  	[sflag:s11] =	ssyncset.done $0x0  }
0x19: {  	s17 =	simm.s32 $0x240;
	[sflag:s11] =	ssyncadd.s32 $0xFFFFFE00  }
0x1a: {  	s14 =	simm.s32 $0x440;
	v1 =	vld [tilespmem:s17+$0x30]  }
0x1b: {  	v2 =	vld [tilespmem:s14+$0x30]  }
0x1c: {  	v0 =	vld [tilespmem:s14+$0xFFFFFFC0]  }
0x1d: {  	v3 =	vld [tilespmem:s17+$0xFFFFFFD0]  }
0x1e: {  	v4 =	vld [tilespmem:s14+$0xFFFFFFD0]  }
0x1f: {  	v5 =	vld [tilespmem:s17+$0xFFFFFFE0]  }
0x20: {  	v6 =	vld [tilespmem:s14+$0xFFFFFFE0]  }
0x21: {  	v7 =	vld [tilespmem:s17+$0xFFFFFFF0]  }
0x22: {  	v8 =	vld [tilespmem:s14+$0xFFFFFFF0]  }
0x23: {  	v9 =	vld [tilespmem:s17+$0x0]  }
0x24: {  	v10 =	vld [tilespmem:s14+$0x0];
	v2 =	vadd.f32 v2, v1  }
0x25: {  	s15 =	simm.s32 $0x640;
	v4 =	vadd.f32 v4, v3;
	v1 =	vld [tilespmem:s17+$0x10]  }
0x26: {  	v5 =	vadd.f32 v6, v5;
	v3 =	vld [tilespmem:s14+$0x10];
	[tilespmem:s15+$0x30] =	vst v2  }
0x27: {  	v6 =	vadd.f32 v8, v7;
	[tilespmem:s15+$0xFFFFFFD0] =	vst v4;
	v2 =	vld [tilespmem:s17+$0x20]  }
0x28: {  	[tilespmem:s15+$0xFFFFFFE0] =	vst v5;
	v5 =	vld [tilespmem:s14+$0x20]  }
0x29: {  	s16 =	simm.s32 $0x0;
	v4 =	vld [tilespmem:s17+$0xFFFFFFC0];
	[tilespmem:s15+$0xFFFFFFF0] =	vst v6;
	v6 =	vadd.f32 v10, v9;
	s17 =	simm.s32 $0x2C0  }
.LBB2_2:
0x2a: {  	v7 =	vld [tilespmem:s17+$0x30];
	s14 =	sadd.s32 $0x80, s14  }
0x2b: {  	s16 =	sadd.s32 $0x8, s16;
	v8 =	vld [tilespmem:s14+$0x30];
	[tilespmem:s15+$0x0] =	vst v6;
	v1 =	vadd.f32 v3, v1  }
0x2c: {  	p0 =	slt.u32 s16, $0x18;
	v3 =	vld [tilespmem:s14+$0xFFFFFFC0]  }
0x2d: {  	v6 =	vld [tilespmem:s17+$0xFFFFFFD0];
	[tilespmem:s15+$0x10] =	vst v1;
	v1 =	vadd.f32 v5, v2  }
0x2e: {  	v2 =	vld [tilespmem:s14+$0xFFFFFFD0];
	v9 =	vadd.f32 v0, v4  }
0x2f: {  	v4 =	vld [tilespmem:s17+$0xFFFFFFE0];
	[tilespmem:s15+$0x20] =	vst v1  }
0x30: {  	v1 =	vld [tilespmem:s14+$0xFFFFFFE0];
	v5 =	vadd.f32 v8, v7;
	[tilespmem:s15+$0xFFFFFFC0] =	vst v9  }
0x31: {  	s15 =	sadd.s32 $0x80, s15;
	v7 =	vld [tilespmem:s17+$0xFFFFFFF0];
	v0 =	vmov v3  }
0x32: {  	v8 =	vld [tilespmem:s14+$0xFFFFFFF0];
	[tilespmem:s15+$0x30] =	vst v5  }
0x33: {  	v2 =	vadd.f32 v2, v6;
	v6 =	vld [tilespmem:s17+$0x0]  }
0x34: {  	v9 =	vld [tilespmem:s14+$0x0]  }
.Ltmp0:
0x35: {  	[tilespmem:s15+$0xFFFFFFD0] =	vst v2;
	v2 =	vadd.f32 v1, v4;
	v1 =	vld [tilespmem:s17+$0x10];
	(pc) =	sbr.rel @p0 .LBB2_2-.Ltmp0, $4  }
0x36: {  	v3 =	vld [tilespmem:s14+$0x10]  }
0x37: {  	[tilespmem:s15+$0xFFFFFFE0] =	vst v2;
	v7 =	vadd.f32 v8, v7;
	v2 =	vld [tilespmem:s17+$0x20]  }
0x38: {  	v5 =	vld [tilespmem:s14+$0x20]  }
0x39: {  	v4 =	vld [tilespmem:s17+$0xFFFFFFC0];
	[tilespmem:s15+$0xFFFFFFF0] =	vst v7;
	v6 =	vadd.f32 v9, v6;
	s17 =	sadd.s32 $0x80, s17  }
0x3a: {  	_ =	sdelay $0x1  }
0x3b: {  	v1 =	vadd.f32 v3, v1  }
0x3c: {  	[tilespmem:s15+$0x0] =	vst v6;
	v2 =	vadd.f32 v5, v2  }
0x3d: {  	s13 =	sadd.s32 $0x1, s13;
	[tilespmem:s15+$0x10] =	vst v1;
	v0 =	vadd.f32 v0, v4  }
0x3e: {  	p0 =	sne.s32 s13, s7;
	[tilespmem:s15+$0x20] =	vst v2  }
.Ltmp1:
0x3f: {  	[tilespmem:s15+$0xFFFFFFC0] =	vst v0;
	(pc) =	sbr.rel @p0 .LBB2_1-.Ltmp1, $4  }
0x40: {  	[hbm4b:s6+s2] =	stream.linear.scatter [tilespmem:s12], [sflag:$0x2], $0x200, $0x38;
	[tilespmem:$0x800] =	vst v63  }
0x41: {  	_ =	swait.ge [sflag:s8], $0x200  }
0x42: {  	[sflag:s8] =	ssyncset.done $0x0  }
0x43: {  	[sflag:s8] =	ssyncadd.s32 $0xFFFFFE00  }
0x44: {  	_ =	sfence.sel $0x180000  }
0x45: {  	[bflag:$0x0] =	sbarrier.arrive $0xFFFF  }
0x46: {  	p0 =	sne.s32 s1, $0x0;
	_ =	strace $0x90000047  }
0x47: {  	s0 =	sadd.s32 @!p0 $0x100000, s0;
	[bflag:$0x2] =	sbarrier.arrive $0xFFFF  }
0x48: {  	[sflag:s0] =	ssyncadd.tile.s32 @!p0 $0x1;
	_ =	shalt  }
.Lfunc_end2:
_tile_overlayer_lowered:
.L_overlay_start_2:
0x49: {  	(tag) =	ssettag $0x2  }
0x4a: {  	s0 =	rddreg [dreg:$0x0];
	s2 =	stileid.u32  }
0x4b: {  	s1 =	rddreg [dreg:$0x1];
	p0 =	sne.s32 s2, $0x0  }
0x4c: {  	s3 =	rddreg [dreg:$0x2];
	[bflag:$0x3] =	sbarrier.arrive $0xFFFF;
	s2 =	simm.s32 @!p0 $0x1C02  }
0x4d: {  	[timem:s3], [sflag:s2] =	dma.local @!p0 [hbm:s0], s1  }
0x4e: {  	s0 =	simm.s32 @!p0 $0x2  }
0x4f: {  	_ =	swait.ge @!p0 [sflag:s0], s1  }
0x50: {  	s1 =	ssub.s32 @!p0 $0x0, s1;
	[sflag:s0] =	ssyncset.done @!p0 $0x0  }
0x51: {  	[sflag:s0] =	ssyncadd.s32 @!p0 s1  }
0x52: {  	[bflag:$0x3] =	sbarrier.arrive $0xFFFF  }
0x53: {  	_ =	shalt  }

</sc_bundles>
